<compile_context>
chip_gen: v7x
topology: tpu7x:2x2x1
jax: 0.10.2.dev20260603
libtpu: 0.0.44.dev20260713+nightly
codegen_flags: <defaults>
</compile_context>

<pallas_src>
import jax
import jax.numpy as jnp
from jax.experimental import pallas as pl
from jax.experimental.pallas import tpu as pltpu

_ROWS = 25600
_COLS = 1024
_BLOCK_ROWS = 1024


def _copy_body(x_ref, o_ref):
    o_ref[...] = x_ref[...]


def kernel(x):
    n, d = x.shape
    flat = x.reshape(_ROWS, _COLS)
    out = pl.pallas_call(
        _copy_body,
        out_shape=jax.ShapeDtypeStruct((_ROWS, _COLS), x.dtype),
        grid=(_ROWS // _BLOCK_ROWS,),
        in_specs=[pl.BlockSpec((_BLOCK_ROWS, _COLS), lambda i: (i, 0))],
        out_specs=pl.BlockSpec((_BLOCK_ROWS, _COLS), lambda i: (i, 0)),
    )(flat)
    return out.reshape(n, d)

# --- scband reference (transcript-rebuilt; emitter-appended) ---
"""Pipeline reference for scband-binned-12249246728791 (READ-ONLY COPY).

The authoritative reference and input builder live on the scoring server;
editing this copy changes nothing except your own understanding.
"""

import jax, jax.numpy as jnp
import numpy as np


def setup_inputs(seed: int = 0) -> dict:
    key = jax.random.key(seed)
    x = jax.random.normal(key, (262144, 100), dtype=jnp.float32)
    return {"x": x}


def reference(x):
    # Binned.forward(x): assigns x as the new logits and returns them.
    # This is a pure pass-through (identity) of the logits tensor.
    logits = x
    return logits

if __name__ == "__main__":
    import jax
    _d = setup_inputs()
    print(jax.jit(kernel)(*tuple(_d.values())))

</pallas_src>

<mosaic_0001>
module attributes {stable_mosaic.version = 14 : i64} {
  func.func @_copy_body(%arg0: i32, %arg1: memref<1024x1024xf32, #tpu.memory_space<vmem>>, %arg2: memref<1024x1024xf32, #tpu.memory_space<vmem>>) attributes {dimension_semantics = [#tpu.dimension_semantics<arbitrary>], iteration_bounds = array<i64: 25>, scalar_prefetch = 0 : i64, scratch_operands = 0 : i64, tpu.core_type = #tpu.core_type<tc>, window_params = [{transform_indices = @transform_0, window_bounds = array<i64: 1024, 1024>}, {transform_indices = @transform_1, window_bounds = array<i64: 1024, 1024>}]} {
    %get3A = arith.constant 0 : index
    %get3A_0 = arith.constant 0 : index
    %get3A_1 = vector.load %arg1[%get3A, %get3A_0] : memref<1024x1024xf32, #tpu.memory_space<vmem>>, vector<1024x1024xf32>
    %swap3A = arith.constant 0 : index
    %swap3A_2 = arith.constant 0 : index
    %swap3A_3 = vector.load %arg2[%swap3A, %swap3A_2] : memref<1024x1024xf32, #tpu.memory_space<vmem>>, vector<1024x1024xf32>
    tpu.vector_store %arg2[%swap3A, %swap3A_2], %get3A_1 {strides = array<i32>} : memref<1024x1024xf32, #tpu.memory_space<vmem>>, vector<1024x1024xf32>,
    return
  }
  func.func @transform_0(%arg0: i32) -> (i32, i32) {
    %c0_i32 = arith.constant 0 : i32
    %c0_i32_0 = arith.constant 0 : i32
    return %arg0, %c0_i32 : i32, i32
  }
  func.func @transform_1(%arg0: i32) -> (i32, i32) {
    %c0_i32 = arith.constant 0 : i32
    %c0_i32_0 = arith.constant 0 : i32
    return %arg0, %c0_i32 : i32, i32
  }
}

</mosaic_0001>

<sc_bundles>
// kernel: sparse-core-data-format-call.cloned.1.call-start
scs
called_computation_lowered:
.L_overlay_start_0:
0x0: {  	s2 =	sld [smem:$0x3FD9]  }
0x1: {  	s3 =	sld [smem:$0x3FFE];
	_ =	sdelay $0x1  }
0x2: {  	s1 =	srdreg.scid  }
0x3: {  	s0 =	sand.u32 $0x1, s1  }
0x4: {  	s18 =	sshll.u32 s0, $0xA;
	s2 =	sadd.s32 s3, s2  }
0x5: {  	s2 =	sadd.s32 s2, s18  }
0x6: {  	[smem:$0x3FC7] =	sst s2  }
0x7: {  	_ = 	snop  }
0x8: {  	s2 =	sld [smem:$0x3FD0];
	(tm) =	ssettm $0x1  }
0x9: {  	s19 =	sld [smem:$0x3FFB];
	_ =	sdelay $0x3  }
0xa: {  	_ =	strace s19  }
0xb: {  	s3 =	sld [smem:$0x3FFC];
	_ =	sdelay $0x3  }
0xc: {  	_ =	strace s3  }
0xd: {  	s3 =	sld [smem:$0x3FFD];
	_ =	sdelay $0x3  }
0xe: {  	_ =	strace s3  }
0xf: {  	_ =	strace $0x8FFFFFFF  }
0x10: {  	s20 =	sld [smem:$0x3FDB];
	_ =	sdelay $0x1  }
0x11: {  	s4 =	simm.s32 $_scs_section_size  }
0x12: {  	s5 =	simm.s32 $_size__tile_overlayer_lowered;
	s6 =	simm.s32 $_tile_overlayer_lowered  }
0x13: {  	s23 =	simm.s32 $0x1BFF;
	s22 =	sshll.u32 s6, $0x1;
	s3 =	sadd.s32 s4, s20  }
0x14: {  	s7 =	simm.s32 $0x0;
	s21 =	sshll.u32 s5, $0x1;
	s5 =	sadd.s32 s22, s3  }
0x15: {  	[timem:s7], [sflag:s23] =	dma.local [hbm:s5], s21  }
0x16: {  	_ =	swait.ge [sflag:s23], s21  }
0x17: {  	s4 =	ssub.s32 $0x0, s21;
	[sflag:s23] =	ssyncset.done $0x0  }
0x18: {  	[sflag:s23] =	ssyncadd.s32 s4;
	_ =	sdelay $0x1  }
0x19: {  	s24 =	simm.s32 $0x1B8B  }
0x1a: {  	_ =	swait.ge [sflag:s24], $0x1  }
0x1b: {  	[sflag:s24] =	ssyncset.done $0x0  }
0x1c: {  	s26 =	simm.s32 $0x1B8E;
	s25 =	sld [smem:$0x3FFE];
	[sflag:s24] =	ssyncadd.s32 $0xFFFFFFFF  }
0x1d: {  	s27 =	simm.s32 $execute0_lowered;
	[smem:$0x3FD2] =	sst s26  }
0x1e: {  	s5 =	sshll.u32 s27, $0x1;
	_ =	strace $0x80000046;
	[dreg:$0x1] =	wrdreg $0xFFFFFFFF  }
0x1f: {  	s28 =	simm.s32 $_size_execute0_lowered;
	s3 =	sadd.s32 s3, s5;
	[dreg:$0x0] =	wrdreg $0x0  }
0x20: {  	s5 =	sshll.u32 s28, $0x1;
	[dreg:$0x2] =	wrdreg s3  }
0x21: {  	[dreg:$0x3] =	wrdreg s5  }
0x22: {  	[dreg:$0x4] =	wrdreg $0xC0  }
0x23: {  	_ =	task [dreg:s7], $0x5FFFF  }
0x24: {  	[dreg:$0x1] =	wrdreg $0xFFFFFFFF  }
0x25: {  	[dreg:$0x0] =	wrdreg $0x60  }
0x26: {  	[dreg:$0x2] =	wrdreg s25  }
0x27: {  	[dreg:$0x3] =	wrdreg s2  }
0x28: {  	[dreg:$0x4] =	wrdreg $0x9  }
0x29: {  	_ =	task.clear_ibuf [dreg:s7], $0x5FFFF;
	_ =	strace $0x90000046  }
0x2a: {  	s29 =	simm.s32 $0x9;
	_ =	strace $0x80000048  }
0x2b: {  	_ =	swait.ge [sflag:s29], $0x1  }
0x2c: {  	[sflag:s29] =	ssyncadd.s32 $0xFFFFFFFF  }
0x2d: {  	_ =	strace $0x90000048  }
0x2e: {  	_ =	sfence  }
0x2f: {  	s30 =	sld [smem:$0x0];
	_ =	sdelay $0x2  }
0x30: {  	s31 =	sshll.u32 s1, $0xD;
	s1 =	sshrl.u32 s1, $0x2  }
0x31: {  	s3 =	sand.u32 $0x4000, s31;
	s1 =	sadd.s32 s1, s30  }
0x32: {  	s0 =	sor.u32 s3, s0;
	s1 =	sshll.u32 s1, $0x11  }
0x33: {  	s0 =	sor.u32 s1, s0  }
0x34: {  	s0 =	sadd.s32 $0x8F2B, s0  }
0x35: {  	[sflag:s0] =	ssyncadd.remote.s32 $0x1  }
0x36: {  	_ =	sfence.sel $0xFFFF  }
0x37: {  	[dreg:$0x0] =	wrdreg $0xFFFFFFFF;
	(pc) =	sbr.abs _section_cstart, $3  }
0x38: {  	[dreg:$0x1] =	wrdreg $0xFFFFFFFF  }
0x39: {  	_ =	task.clear_ibuf [dreg:s7], $0x2FFFF;
	_ =	strace $0x9FFFFFFF  }
0x3a: {  	(tm) =	ssettm $0x7FFFFFFF  }
0x3b: {  	_ =	shalt  }
tec
execute0_lowered:
.L_overlay_start_1:
0x0: {  	(tag) =	ssettag $0x1  }
0x1: {  	s0 =	srdreg.scid  }
0x2: {  	s5 =	rddreg [dreg:$0x0];
	s1 =	sshll.u32 s0, $0x4  }
0x3: {  	s2 =	rddreg [dreg:$0x1];
	s0 =	stileid.u32;
	s1 =	sand.u32 $0x10, s1  }
0x4: {  	s4 =	simm.s32 $0x1;
	s8 =	simm.s32 $0x2;
	s1 =	sor.u32 s0, s1  }
0x5: {  	s12 =	simm.s32 $0x0;
	s9 =	simm.s32 $0x0;
	s3 =	sshll.u32 s1, $0x7  }
0x6: {  	s11 =	simm.s32 $0x0;
	s5 =	sadd.s32 $0x320400, s5;
	s6 =	ssub.s32 $0x40000, s3  }
.Ltmp0:
0x7: {  	s1 =	rddreg [dreg:$0x2];
	s7 =	sand.u32 $0xF80, s6;
	(pc) =	sbr.rel .LBB1_1-.Ltmp0, $4  }
0x8: {  	_ =	strace $0x80000047;
	p0 =	sne.s32 s7, $0x0;
	s7 =	simm.s32 $0x1  }
0x9: {  	[sflag:s4] =	ssyncpa.u1 $0x0;
	s6 =	sshrl.u32 s6, $0xC;
	s7 =	simm.s32 @!p0 $0x0  }
0xa: {  	s10 =	smov.u32 s3;
	[sflag:s8] =	ssyncpa.u1 $0x0;
	s6 =	sadd.s32 s7, s6  }
0xb: {  	s8 =	simm.s32 $0x200000;
	p0 =	por $0x0, $0x0;
	s7 =	sadd.s32 $0x1, s6  }
.LBB1_4:
0xc: {  	v5 =	vld [tilespmem:s14+$0xFFFFFFD0];
	[tilespmem:s16+$0x2040 ss:$0x81] =	vst.msk $0xffff, v3  }
0xd: {  	s18 =	sshll.u32 s9, $0x3;
	v58 =	vld [tilespmem:s14+$0xFFFFFFE0];
	[tilespmem:s16+$0x2850 ss:$0x81] =	vst.msk $0xffff, v4  }
0xe: {  	s17 =	sshra.s32 s17, $0x2;
	v59 =	vld [tilespmem:s14+$0xFFFFFFF0];
	[tilespmem:s16+$0x3060 ss:$0x81] =	vst.msk $0xffff, v2;
	p1 =	sgt.s32 s9, $0x3FF80;
	s19 =	sshrl.u32 s18, $0x12  }
0xf: {  	v60 =	vld [tilespmem:s14+$0x0];
	[tilespmem:s16+$0x0 ss:$0x81] =	vst.msk $0xffff, v1;
	s27 =	sshra.s32 s9, $0x1F;
	s15 =	sadd.s32 s17, s15;
	s20 =	smul.u32 $0x2763, s19  }
0x10: {  	v61 =	vld [tilespmem:s14+$0x10];
	s28 =	sand.u32 $0x78, s9;
	s30 =	sand.u32 $0x7, s9;
	s17 =	smov.u32 s9;
	[tilespmem:s15+$0x3870 ss:$0x81] =	vst.msk $0xffff, v0  }
0x11: {  	v62 =	vld [tilespmem:s14+$0x20];
	s17 =	simm.s32 @!p1 $0x3FF80;
	s26 =	sshrl.u32 s20, $0x14;
	s20 =	sand.u32 s27, s9;
	[tilespmem:s15+$0x810 ss:$0x81] =	vst.msk $0xffff, v5  }
0x12: {  	v63 =	vld [tilespmem:s14+$0xFFFFFFC0];
	s18 =	sand.u32 $0x3FC00, s18;
	s16 =	smul.u32 $0x68, s26;
	s17 =	ssub.s32 s17, s20;
	[tilespmem:s15+$0x1020 ss:$0x81] =	vst.msk $0xffff, v58  }
0x13: {  	s14 =	sor.u32 s28, s18;
	s18 =	sshll.u32 s30, $0x12;
	[tilespmem:s15+$0x1830 ss:$0x81] =	vst.msk $0xffff, v59;
	s29 =	ssub.s32 $0x40000, s17  }
0x14: {  	s14 =	sshrl.u32 s14, $0x3;
	[tilespmem:s15+$0x2040 ss:$0x81] =	vst.msk $0xffff, v60;
	s16 =	ssub.s32 s19, s16;
	s19 =	smul.u32 $0x1A0, s29  }
0x15: {  	s14 =	sadd.s32 s2, s14;
	[tilespmem:s15+$0x2850 ss:$0x81] =	vst.msk $0xffff, v61;
	s17 =	sadd.s32 $0xFFFC0080, s17;
	s16 =	sand.u32 $0xFFFF, s16  }
0x16: {  	[tilespmem:s15+$0x3060 ss:$0x81] =	vst.msk $0xffff, v62;
	p1 =	sgt.s32 s17, $0x7F;
	s17 =	sshrl.u32 s19, $0x2;
	s16 =	sshll.u32 s16, $0xF  }
0x17: {  	s31 =	sor.u32 $0x400, s18;
	[tilespmem:s15+$0x0 ss:$0x81] =	vst.msk $0xffff, v63;
	s17 =	simm.s32 @p1 $0x0;
	s14 =	sadd.s32 s16, s14  }
0x18: {  	[hbm4b:s14+s31] =	stream.strided.scatter [tilespmem:s13], [sflag:$0x2], s17, s8, s31, $0x20;
	[tilespmem:$0x10100] =	vst v63  }
.LBB1_5:
0x19: {  	p1 =	slt.u32 s11, $0x2  }
0x1a: {  	p2 =	sgt.s32 @!p1 s12, $0x3FF80  }
0x1b: {  	s13 =	smov.u32 s12;
	s14 =	sshra.s32 @!p1 s12, $0x1F;
	p2 =	por !p2, p1  }
0x1c: {  	s12 =	sand.u32 @!p1 s14, s12;
	s13 =	simm.s32 @p2 $0x3FF80  }
0x1d: {  	s12 =	ssub.s32 @!p1 s13, s12  }
0x1e: {  	s13 =	ssub.s32 @!p1 $0x40000, s12  }
0x1f: {  	s12 =	sadd.s32 @!p1 $0xFFFC0080, s12;
	s13 =	smul.u32 @!p1 $0x1A0, s13  }
0x20: {  	p2 =	sgt.s32 @!p1 s12, $0x7F  }
0x21: {  	s14 =	sadd.s32 $0x1000, s10;
	p2 =	por !p2, p1;
	s12 =	sshrl.u32 @!p1 s13, $0x2  }
0x22: {  	s12 =	simm.s32 @!p2 $0x0;
	p2 =	sgt.s32 s14, $0x3FFFF  }
0x23: {  	s14 =	smov.u32 @p2 s3;
	p2 =	sne.s32 s11, s7  }
.Ltmp1:
0x24: {  	_ = 	snop;
	(pc) =	sbr.rel @!p2 .LBB1_6-.Ltmp1, $4  }
0x25: {  	s13 =	simm.s32 @!p1 $0x2  }
0x26: {  	p0 =	por !p0, !p0;
	_ =	swait.ge @!p1 [sflag:s13], s12;
	s15 =	ssub.s32 @!p1 $0x0, s12  }
0x27: {  	s12 =	smov.u32 s9;
	s11 =	sadd.s32 $0x1, s11;
	[sflag:s13] =	ssyncset.done @!p1 $0x0  }
0x28: {  	s9 =	smov.u32 s10;
	s10 =	smov.u32 s14;
	[sflag:s13] =	ssyncadd.s32 @!p1 s15  }
.LBB1_1:
0x29: {  	p1 =	sge.u32 s11, s6  }
0x2a: {  	s13 =	sxor.u32 @!p1 $0xFFFFFFFF, s11;
	s14 =	sshll.u32 @!p1 s10, $0x4  }
0x2b: {  	s31 =	sadd.s32 $0xFFFFFFFF, s11;
	s13 =	sshll.u32 @!p1 s13, $0xE;
	s14 =	sand.u32 @!p1 $0x3FFFF0, s14  }
0x2c: {  	s15 =	simm.s32 @!p1 $0x0;
	s13 =	sand.u32 @!p1 $0x4000, s13;
	s14 =	sadd.s32 @!p1 s5, s14  }
0x2d: {  	[tilespmem:s13], [sflag:$0x1] =	stream.linear.gather @!p1 [hbm4b:s14+s15], $0x4000, $0x38;
	[tilespmem:$0x10100] =	vst v63  }
0x2e: {  	p1 =	sge.u32 s31, s6  }
.Ltmp2:
0x2f: {  	_ = 	snop;
	(pc) =	sbr.rel @p1 .LBB1_5-.Ltmp2, $1  }
0x30: {  	_ =	sdelay $0x3  }
0x31: {  	s13 =	simm.s32 $0x1  }
0x32: {  	_ =	swait.ge [sflag:s4], $0x4000;
	s13 =	simm.s32 @!p0 $0x0  }
0x33: {  	[sflag:s4] =	ssyncset.done $0x0;
	s14 =	sshll.u32 s13, $0xE  }
0x34: {  	[sflag:s4] =	ssyncadd.s32 $0xFFFFC000;
	s14 =	sor.u32 $0x40, s14  }
0x35: {  	s13 =	smul.u32 $0x10200, s13;
	v0 =	vld [tilespmem:s14+$0x30]  }
0x36: {  	v1 =	vld [tilespmem:s14+$0xFFFFFFD0]  }
0x37: {  	s13 =	sshrl.u32 s13, $0x2;
	v5 =	vld [tilespmem:s14+$0xFFFFFFE0]  }
0x38: {  	v6 =	vld [tilespmem:s14+$0xFFFFFFF0];
	s15 =	sor.u32 $0x8000, s13  }
0x39: {  	s31 =	sand.u32 $0x1, s11;
	v3 =	vld [tilespmem:s14+$0x0];
	s16 =	sadd.s32 $0x0, s15  }
0x3a: {  	v4 =	vld [tilespmem:s14+$0x10];
	s13 =	smul.u32 $0x10200, s31;
	[tilespmem:s16+$0x3870 ss:$0x81] =	vst.msk $0xffff, v0  }
0x3b: {  	v2 =	vld [tilespmem:s14+$0x20];
	[tilespmem:s16+$0x810 ss:$0x81] =	vst.msk $0xffff, v1  }
0x3c: {  	s13 =	sshrl.u32 s13, $0x2;
	v1 =	vld [tilespmem:s14+$0xFFFFFFC0];
	[tilespmem:s16+$0x1020 ss:$0x81] =	vst.msk $0xffff, v5;
	s14 =	sadd.s32 $0x80, s14  }
0x3d: {  	s17 =	simm.s32 $0x4;
	s18 =	simm.s32 $0x8;
	s13 =	sor.u32 $0x8000, s13;
	[tilespmem:s16+$0x1830 ss:$0x81] =	vst.msk $0xffff, v6;
	v0 =	vld [tilespmem:s14+$0x30]  }
.LBB1_3:
0x3e: {  	p1 =	sne.s32 s18, $0x1FC;
	v5 =	vld [tilespmem:s14+$0xFFFFFFD0];
	[tilespmem:s16+$0x2040 ss:$0x81] =	vst.msk $0xffff, v3  }
0x3f: {  	v6 =	vld [tilespmem:s14+$0xFFFFFFE0];
	[tilespmem:s16+$0x2850 ss:$0x81] =	vst.msk $0xffff, v4  }
0x40: {  	s19 =	sshra.s32 s17, $0x2;
	s17 =	smov.u32 s18;
	v7 =	vld [tilespmem:s14+$0xFFFFFFF0];
	[tilespmem:s16+$0x3060 ss:$0x81] =	vst.msk $0xffff, v2  }
.Ltmp3:
0x41: {  	v3 =	vld [tilespmem:s14+$0x0];
	[tilespmem:s16+$0x0 ss:$0x81] =	vst.msk $0xffff, v1;
	s16 =	sadd.s32 s19, s15;
	(pc) =	sbr.rel @p1 .LBB1_3-.Ltmp3, $4  }
0x42: {  	v4 =	vld [tilespmem:s14+$0x10];
	[tilespmem:s16+$0x3870 ss:$0x81] =	vst.msk $0xffff, v0  }
0x43: {  	[tilespmem:s16+$0x810 ss:$0x81] =	vst.msk $0xffff, v5;
	v2 =	vld [tilespmem:s14+$0x20]  }
0x44: {  	v1 =	vld [tilespmem:s14+$0xFFFFFFC0];
	[tilespmem:s16+$0x1020 ss:$0x81] =	vst.msk $0xffff, v6;
	s14 =	sadd.s32 $0x80, s14  }
0x45: {  	s18 =	sadd.s32 $0x4, s18;
	v0 =	vld [tilespmem:s14+$0x30];
	[tilespmem:s16+$0x1830 ss:$0x81] =	vst.msk $0xffff, v7  }
.Ltmp4:
0x46: {  	_ = 	snop;
	(pc) =	sbr.rel .LBB1_4-.Ltmp4, $1  }
0x47: {  	_ =	sdelay $0x3  }
.LBB1_6:
0x48: {  	_ =	sfence.sel $0x180000  }
0x49: {  	s2 =	simm.s32 $0x1;
	[bflag:$0x0] =	sbarrier.arrive $0xFFFF  }
0x4a: {  	s31 =	simm.s32 $0x2;
	[sflag:s2] =	ssyncpa.u1 $0x1  }
0x4b: {  	[sflag:s31] =	ssyncpa.u1 $0x1  }
0x4c: {  	p0 =	sne.s32 s0, $0x0;
	_ =	strace $0x90000047  }
0x4d: {  	s0 =	sadd.s32 @!p0 $0x100000, s1;
	[bflag:$0x2] =	sbarrier.arrive $0xFFFF  }
0x4e: {  	[sflag:s0] =	ssyncadd.tile.s32 @!p0 $0x1;
	_ =	shalt  }
.Lfunc_end1:
_tile_overlayer_lowered:
.L_overlay_start_2:
0x4f: {  	(tag) =	ssettag $0x2  }
0x50: {  	s0 =	rddreg [dreg:$0x0];
	s2 =	stileid.u32  }
0x51: {  	s1 =	rddreg [dreg:$0x1];
	p0 =	sne.s32 s2, $0x0  }
0x52: {  	s3 =	rddreg [dreg:$0x2];
	[bflag:$0x3] =	sbarrier.arrive $0xFFFF;
	s2 =	simm.s32 @!p0 $0x1C01  }
0x53: {  	[timem:s3], [sflag:s2] =	dma.local @!p0 [hbm:s0], s1  }
0x54: {  	s0 =	simm.s32 @!p0 $0x1  }
0x55: {  	_ =	swait.ge @!p0 [sflag:s0], s1  }
0x56: {  	s1 =	ssub.s32 @!p0 $0x0, s1;
	[sflag:s0] =	ssyncset.done @!p0 $0x0  }
0x57: {  	[sflag:s0] =	ssyncadd.s32 @!p0 s1  }
0x58: {  	[bflag:$0x3] =	sbarrier.arrive $0xFFFF  }
0x59: {  	_ =	shalt  }

</sc_bundles>
